<compile_context>
chip_gen: v7x
topology: tpu7x:2x2x1
jax: 0.10.2.dev20260603
libtpu: 0.0.44.dev20260713+nightly
codegen_flags: <defaults>
</compile_context>

<pallas_src>
import functools

import jax
import jax.numpy as jnp
from jax.experimental import pallas as pl
from jax.experimental.pallas import tpu as pltpu

_N = 20000
_B = 512
_IOU_T = 0.5
_PAD_COORD = -4.0e6
_PAD_CLASS = 21.0


def _nms_body(endr, x1r, y1r, x2r, y2r, clsr, keep_r, act_r):
    nb, b = x1r.shape

    lane = jax.lax.broadcasted_iota(jnp.int32, (b, b), 1)
    sub = jax.lax.broadcasted_iota(jnp.int32, (b, b), 0)
    strict = sub < lane

    m = jnp.maximum(jnp.max(x2r[...]), jnp.max(y2r[...]))
    scale = m + 1.0

    act_r[...] = jnp.ones((nb, b), jnp.float32)

    def matvec(vec, mat):
        return jnp.dot(
            vec[None, :], mat, preferred_element_type=jnp.float32
        ).reshape(b)

    def outer(j, carry):
        off_c = clsr[j, :] * scale
        cx1 = x1r[j, :] + off_c
        cy1 = y1r[j, :] + off_c
        cx2 = x2r[j, :] + off_c
        cy2 = y2r[j, :] + off_c
        area_c = (cx2 - cx1) * (cy2 - cy1)
        rx1 = cx1[:, None]
        ry1 = cy1[:, None]
        rx2 = cx2[:, None]
        ry2 = cy2[:, None]
        area_r = area_c[:, None]

        def overlap_f(px1, py1, px2, py2, area_p):
            ix1 = jnp.maximum(rx1, px1[None, :])
            iy1 = jnp.maximum(ry1, py1[None, :])
            ix2 = jnp.minimum(rx2, px2[None, :])
            iy2 = jnp.minimum(ry2, py2[None, :])
            w = jnp.maximum(0.0, ix2 - ix1)
            h = jnp.maximum(0.0, iy2 - iy1)
            inter = w * h
            union = (area_r + area_p[None, :]) - inter
            return (inter / union) > _IOU_T

        a_f = act_r[j, :]
        ovu = jnp.where(
            overlap_f(cx1, cy1, cx2, cy2, area_c) & strict, 1.0, 0.0
        )

        def fcond(c):
            return c[1] > 0

        def fbody(c):
            r, _ = c
            vec1 = a_f * (1.0 - r)
            incoming = matvec(vec1, ovu)
            alive_f = jnp.where(incoming == 0.0, 1.0, 0.0)
            supc = matvec(vec1 * alive_f, ovu)
            newly = jnp.where(supc > 0.0, 1.0, 0.0) * (1.0 - r)
            return r + newly, (jnp.sum(newly) > 0.0).astype(jnp.int32)

        rf, _ = jax.lax.while_loop(
            fcond, fbody, (jnp.zeros((b,), jnp.float32), jnp.int32(1))
        )
        incoming_f = matvec(a_f * (1.0 - rf), ovu)
        keepf = a_f * jnp.where(incoming_f == 0.0, 1.0, 0.0)
        keep_r[j, :] = keepf

        def inner(i, c):
            off_p = clsr[i, :] * scale
            px1 = x1r[i, :] + off_p
            py1 = y1r[i, :] + off_p
            px2 = x2r[i, :] + off_p
            py2 = y2r[i, :] + off_p
            area_p = (px2 - px1) * (py2 - py1)
            ovf = jnp.where(overlap_f(px1, py1, px2, py2, area_p), 1.0, 0.0)
            supc = matvec(keepf, ovf)
            act_r[i, :] = jnp.where(supc > 0.0, 0.0, act_r[i, :])
            return c

        jax.lax.fori_loop(j + 1, endr[j], inner, 0)
        return carry

    jax.lax.fori_loop(0, nb, outer, 0)


def _nms_keep(endb, x1, y1, x2, y2, clsf, interpret=False):
    nb, b = x1.shape
    vspec = pl.BlockSpec(memory_space=pltpu.VMEM)
    return pl.pallas_call(
        _nms_body,
        out_shape=jax.ShapeDtypeStruct((nb, b), jnp.float32),
        in_specs=[
            pl.BlockSpec(memory_space=pltpu.SMEM),
            vspec,
            vspec,
            vspec,
            vspec,
            vspec,
        ],
        out_specs=pl.BlockSpec(memory_space=pltpu.VMEM),
        scratch_shapes=[pltpu.VMEM((nb, b), jnp.float32)],
        interpret=interpret,
    )(endb, x1, y1, x2, y2, clsf)


def _nms_pipeline(boxes, scores, class_ids, block=_B, interpret=False):
    n = boxes.shape[0]
    nb = -(-n // block)
    pad = nb * block - n

    idx = jnp.arange(n, dtype=jnp.int32)
    neg = -scores
    cls32 = class_ids.astype(jnp.int32)

    negs_g, order_g = jax.lax.sort((neg, idx), num_keys=1, is_stable=True)
    ssc_g = -negs_g

    clss, _, sx1, sy1, sx2, sy2, order = jax.lax.sort(
        (cls32, neg, boxes[:, 0], boxes[:, 1], boxes[:, 2], boxes[:, 3], idx),
        num_keys=2,
        is_stable=True,
    )

    cls_i = jnp.concatenate([clss, jnp.full((pad,), 21, jnp.int32)])
    cls_blocks = cls_i.reshape(nb, block)
    lo = cls_blocks[:, 0]
    hi = cls_blocks[:, -1]
    endb = jnp.searchsorted(lo, hi, side="right").astype(jnp.int32)

    padc = jnp.full((pad,), _PAD_COORD, jnp.float32)
    x1 = jnp.concatenate([sx1, padc]).reshape(nb, block)
    y1 = jnp.concatenate([sy1, padc]).reshape(nb, block)
    x2 = jnp.concatenate([sx2, padc + 1.0]).reshape(nb, block)
    y2 = jnp.concatenate([sy2, padc + 1.0]).reshape(nb, block)
    clsf = cls_i.astype(jnp.float32).reshape(nb, block)

    keepf = _nms_keep(endb, x1, y1, x2, y2, clsf, interpret=interpret)
    keep_cs = keepf.reshape(-1)[:n]
    keep_box = jnp.zeros((n,), jnp.float32).at[order].set(keep_cs)
    keep_g = keep_box[order_g] > 0.5
    keep_indices = jnp.where(keep_g, order_g, -1)
    kept_scores = jnp.where(keep_g, ssc_g, 0.0)
    return keep_indices, kept_scores


def kernel(boxes, scores, class_ids):
    return _nms_pipeline(boxes, scores, class_ids, block=_B)

# --- scband reference (transcript-rebuilt; emitter-appended) ---
"""Pipeline reference for scband-fcos-58188216926705 (READ-ONLY COPY).

The authoritative reference and input builder live on the scoring server;
editing this copy changes nothing except your own understanding.
"""

import jax, jax.numpy as jnp
import numpy as np

N = 20000
NUM_CLASSES = 20
IOU_THRESHOLD = 0.5


def setup_inputs(seed: int = 0) -> dict:
    key = jax.random.key(seed)
    k1, k2, k3, k4 = jax.random.split(key, 4)
    # boxes: valid (x1, y1, x2, y2) with x2 > x1, y2 > y1, in a ~1000px image
    xy = jax.random.uniform(k1, (N, 2), dtype=jnp.float32) * 900.0
    wh = jax.random.uniform(k2, (N, 2), dtype=jnp.float32) * 100.0 + 1.0
    boxes = jnp.concatenate([xy, xy + wh], axis=1)
    scores = jax.random.uniform(k3, (N,), dtype=jnp.float32)
    class_ids = jax.random.randint(k4, (N,), 0, NUM_CLASSES).astype(jnp.int64)
    return {"boxes": boxes, "scores": scores, "class_ids": class_ids}


def _iou_one_vs_all(box, boxes):
    # Faithful to the torch `iou` helper: intersection / union with clamp at 0
    x1 = jnp.maximum(box[0], boxes[:, 0])
    y1 = jnp.maximum(box[1], boxes[:, 1])
    x2 = jnp.minimum(box[2], boxes[:, 2])
    y2 = jnp.minimum(box[3], boxes[:, 3])
    w = jnp.maximum(0.0, x2 - x1)
    h = jnp.maximum(0.0, y2 - y1)
    inter = w * h
    a1 = (box[2] - box[0]) * (box[3] - box[1])
    a2 = (boxes[:, 2] - boxes[:, 0]) * (boxes[:, 3] - boxes[:, 1])
    return inter / (a1 + a2 - inter)


def _nms_suppressed_mask(sorted_boxes, iou_threshold):
    # Greedy NMS over boxes already sorted by descending score.
    # suppressed[rank] mirrors the torch `suppressed` array indexed by sorted rank.
    n = sorted_boxes.shape[0]
    ranks = jnp.arange(n)

    def body(i, suppressed):
        ious = _iou_one_vs_all(sorted_boxes[i], sorted_boxes)
        new_sup = suppressed | ((ious > iou_threshold) & (ranks > i))
        # only suppress others if box i itself is not suppressed
        return jnp.where(suppressed[i], suppressed, new_sup)

    return jax.lax.fori_loop(0, n, body, jnp.zeros((n,), dtype=bool))


def reference(boxes, scores, class_ids):
    # class_spec_nms: offset boxes per class so different classes never overlap
    max_coordinate = boxes.max()
    offsets = class_ids.astype(boxes.dtype) * (max_coordinate + 1.0)
    boxes_for_nms = boxes + offsets[:, None]

    # nms: sort by descending score, greedily suppress overlapping boxes
    order = jnp.argsort(-scores)
    sorted_boxes = boxes_for_nms[order]
    suppressed = _nms_suppressed_mask(sorted_boxes, IOU_THRESHOLD)
    keep_mask = ~suppressed

    # fixed-size encoding of the variable-length `keep` list:
    # kept original indices in decreasing-score order, -1 where suppressed
    keep_indices = jnp.where(keep_mask, order, -1)
    kept_scores = jnp.where(keep_mask, scores[order], 0.0)
    return keep_indices, kept_scores

if __name__ == "__main__":
    import jax
    _d = setup_inputs()
    print(jax.jit(kernel)(*tuple(_d.values())))

</pallas_src>

<mosaic_0001>
module attributes {stable_mosaic.version = 14 : i64} {
  func.func @_nms_body(%arg0: memref<40xi32, #tpu.memory_space<smem>>, %arg1: memref<40x512xf32, #tpu.memory_space<vmem>>, %arg2: memref<40x512xf32, #tpu.memory_space<vmem>>, %arg3: memref<40x512xf32, #tpu.memory_space<vmem>>, %arg4: memref<40x512xf32, #tpu.memory_space<vmem>>, %arg5: memref<40x512xf32, #tpu.memory_space<vmem>>, %arg6: memref<40x512xf32, #tpu.memory_space<vmem>>, %arg7: memref<40x512xf32, #tpu.memory_space<vmem>>) attributes {dimension_semantics = [], scalar_prefetch = 0 : i64, scratch_operands = 1 : i64, tpu.core_type = #tpu.core_type<tc>} {
    %iota3A = tpu.iota {dimensions = array<i32: 1>} : vector<512x512xi32>
    %iota3A_0 = tpu.iota {dimensions = array<i32: 0>} : vector<512x512xi32>
    %lt3A = arith.cmpi slt, %iota3A_0, %iota3A : vector<512x512xi32>
    %get3A = arith.constant 0 : index
    %get3A_1 = arith.constant 0 : index
    %get3A_2 = vector.load %arg3[%get3A, %get3A_1] : memref<40x512xf32, #tpu.memory_space<vmem>>, vector<40x512xf32>
    %reduce_max3A = vector.shape_cast %get3A_2 : vector<40x512xf32> to vector<1x40x512xf32>
    %reduce_max3A_3 = arith.constant dense<0xFF800000> : vector<1xf32>
    %reduce_max3A_4 = vector.multi_reduction <maximumf>, %reduce_max3A, %reduce_max3A_3 [1, 2] : vector<1x40x512xf32> to vector<1xf32>
    %reduce_max3A_5 = vector.shape_cast %reduce_max3A_4 : vector<1xf32> to vector<1x1x1xf32>
    %reduce_max3A_6 = vector.extract %reduce_max3A_5[0, 0, 0] : f32 from vector<1x1x1xf32>
    %get3A_7 = arith.constant 0 : index
    %get3A_8 = arith.constant 0 : index
    %get3A_9 = vector.load %arg4[%get3A_7, %get3A_8] : memref<40x512xf32, #tpu.memory_space<vmem>>, vector<40x512xf32>
    %reduce_max3A_10 = vector.shape_cast %get3A_9 : vector<40x512xf32> to vector<1x40x512xf32>
    %reduce_max3A_11 = arith.constant dense<0xFF800000> : vector<1xf32>
    %reduce_max3A_12 = vector.multi_reduction <maximumf>, %reduce_max3A_10, %reduce_max3A_11 [1, 2] : vector<1x40x512xf32> to vector<1xf32>
    %reduce_max3A_13 = vector.shape_cast %reduce_max3A_12 : vector<1xf32> to vector<1x1x1xf32>
    %reduce_max3A_14 = vector.extract %reduce_max3A_13[0, 0, 0] : f32 from vector<1x1x1xf32>
    %max3A = arith.maximumf %reduce_max3A_6, %reduce_max3A_14 : f32
    %add3A = arith.constant 1.000000e+00 : f32
    %add3A_15 = arith.addf %max3A, %add3A : f32
    %broadcast_in_dim3A = arith.constant 1.000000e+00 : f32
    %broadcast_in_dim3A_16 = vector.broadcast %broadcast_in_dim3A : f32 to vector<40x512xf32>
    %swap3A = arith.constant 0 : index
    %swap3A_17 = arith.constant 0 : index
    %swap3A_18 = vector.load %arg7[%swap3A, %swap3A_17] : memref<40x512xf32, #tpu.memory_space<vmem>>, vector<40x512xf32>
    tpu.vector_store %arg7[%swap3A, %swap3A_17], %broadcast_in_dim3A_16 {strides = array<i32>} : memref<40x512xf32, #tpu.memory_space<vmem>>, vector<40x512xf32>,
    %scan3A = arith.constant 0 : i32
    %scan3A_19 = arith.constant 40 : i32
    %scan3A_20 = arith.addi %scan3A, %scan3A_19 : i32
    %scan3A_21 = arith.constant 1 : i32
    scf.for %scan3A_23 = %scan3A to %scan3A_20 step %scan3A_21  : i32 {
      %get3A_24 = arith.index_cast %scan3A_23 : i32 to index
      %get3A_25 = arith.constant 0 : index
      %get3A_26 = vector.load %arg5[%get3A_24, %get3A_25] : memref<40x512xf32, #tpu.memory_space<vmem>>, vector<1x512xf32>
      %get3A_27 = vector.shape_cast %get3A_26 : vector<1x512xf32> to vector<512xf32>
      %mul3A = vector.broadcast %add3A_15 : f32 to vector<512xf32>
      %mul3A_28 = arith.mulf %get3A_27, %mul3A : vector<512xf32>
      %get3A_29 = arith.index_cast %scan3A_23 : i32 to index
      %get3A_30 = arith.constant 0 : index
      %get3A_31 = vector.load %arg1[%get3A_29, %get3A_30] : memref<40x512xf32, #tpu.memory_space<vmem>>, vector<1x512xf32>
      %get3A_32 = vector.shape_cast %get3A_31 : vector<1x512xf32> to vector<512xf32>
      %add3A_33 = arith.addf %get3A_32, %mul3A_28 : vector<512xf32>
      %get3A_34 = arith.index_cast %scan3A_23 : i32 to index
      %get3A_35 = arith.constant 0 : index
      %get3A_36 = vector.load %arg2[%get3A_34, %get3A_35] : memref<40x512xf32, #tpu.memory_space<vmem>>, vector<1x512xf32>
      %get3A_37 = vector.shape_cast %get3A_36 : vector<1x512xf32> to vector<512xf32>
      %add3A_38 = arith.addf %get3A_37, %mul3A_28 : vector<512xf32>
      %get3A_39 = arith.index_cast %scan3A_23 : i32 to index
      %get3A_40 = arith.constant 0 : index
      %get3A_41 = vector.load %arg3[%get3A_39, %get3A_40] : memref<40x512xf32, #tpu.memory_space<vmem>>, vector<1x512xf32>
      %get3A_42 = vector.shape_cast %get3A_41 : vector<1x512xf32> to vector<512xf32>
      %add3A_43 = arith.addf %get3A_42, %mul3A_28 : vector<512xf32>
      %get3A_44 = arith.index_cast %scan3A_23 : i32 to index
      %get3A_45 = arith.constant 0 : index
      %get3A_46 = vector.load %arg4[%get3A_44, %get3A_45] : memref<40x512xf32, #tpu.memory_space<vmem>>, vector<1x512xf32>
      %get3A_47 = vector.shape_cast %get3A_46 : vector<1x512xf32> to vector<512xf32>
      %add3A_48 = arith.addf %get3A_47, %mul3A_28 : vector<512xf32>
      %sub3A = arith.subf %add3A_43, %add3A_33 : vector<512xf32>
      %sub3A_49 = arith.subf %add3A_48, %add3A_38 : vector<512xf32>
      %mul3A_50 = arith.mulf %sub3A, %sub3A_49 : vector<512xf32>
      %broadcast_in_dim3A_51 = vector.shape_cast %add3A_33 : vector<512xf32> to vector<512x1xf32>
      %broadcast_in_dim3A_52 = vector.shape_cast %add3A_38 : vector<512xf32> to vector<512x1xf32>
      %broadcast_in_dim3A_53 = vector.shape_cast %add3A_43 : vector<512xf32> to vector<512x1xf32>
      %broadcast_in_dim3A_54 = vector.shape_cast %add3A_48 : vector<512xf32> to vector<512x1xf32>
      %broadcast_in_dim3A_55 = vector.shape_cast %mul3A_50 : vector<512xf32> to vector<512x1xf32>
      %get3A_56 = arith.index_cast %scan3A_23 : i32 to index
      %get3A_57 = arith.constant 0 : index
      %get3A_58 = vector.load %arg7[%get3A_56, %get3A_57] : memref<40x512xf32, #tpu.memory_space<vmem>>, vector<1x512xf32>
      %get3A_59 = vector.shape_cast %get3A_58 : vector<1x512xf32> to vector<512xf32>
      %broadcast_in_dim3A_60 = vector.shape_cast %add3A_33 : vector<512xf32> to vector<1x512xf32>
      %max3A_61 = vector.broadcast %broadcast_in_dim3A_51 : vector<512x1xf32> to vector<512x512xf32>
      %max3A_62 = vector.broadcast %broadcast_in_dim3A_60 : vector<1x512xf32> to vector<512x512xf32>
      %max3A_63 = arith.maximumf %max3A_61, %max3A_62 : vector<512x512xf32>
      %broadcast_in_dim3A_64 = vector.shape_cast %add3A_38 : vector<512xf32> to vector<1x512xf32>
      %max3A_65 = vector.broadcast %broadcast_in_dim3A_52 : vector<512x1xf32> to vector<512x512xf32>
      %max3A_66 = vector.broadcast %broadcast_in_dim3A_64 : vector<1x512xf32> to vector<512x512xf32>
      %max3A_67 = arith.maximumf %max3A_65, %max3A_66 : vector<512x512xf32>
      %broadcast_in_dim3A_68 = vector.shape_cast %add3A_43 : vector<512xf32> to vector<1x512xf32>
      %min3A = vector.broadcast %broadcast_in_dim3A_53 : vector<512x1xf32> to vector<512x512xf32>
      %min3A_69 = vector.broadcast %broadcast_in_dim3A_68 : vector<1x512xf32> to vector<512x512xf32>
      %min3A_70 = arith.minimumf %min3A, %min3A_69 : vector<512x512xf32>
      %broadcast_in_dim3A_71 = vector.shape_cast %add3A_48 : vector<512xf32> to vector<1x512xf32>
      %min3A_72 = vector.broadcast %broadcast_in_dim3A_54 : vector<512x1xf32> to vector<512x512xf32>
      %min3A_73 = vector.broadcast %broadcast_in_dim3A_71 : vector<1x512xf32> to vector<512x512xf32>
      %min3A_74 = arith.minimumf %min3A_72, %min3A_73 : vector<512x512xf32>
      %sub3A_75 = arith.subf %min3A_70, %max3A_63 : vector<512x512xf32>
      %max3A_76 = arith.constant 0.000000e+00 : f32
      %max3A_77 = vector.broadcast %max3A_76 : f32 to vector<512x512xf32>
      %max3A_78 = arith.maximumf %max3A_77, %sub3A_75 : vector<512x512xf32>
      %sub3A_79 = arith.subf %min3A_74, %max3A_67 : vector<512x512xf32>
      %max3A_80 = arith.constant 0.000000e+00 : f32
      %max3A_81 = vector.broadcast %max3A_80 : f32 to vector<512x512xf32>
      %max3A_82 = arith.maximumf %max3A_81, %sub3A_79 : vector<512x512xf32>
      %mul3A_83 = arith.mulf %max3A_78, %max3A_82 : vector<512x512xf32>
      %broadcast_in_dim3A_84 = vector.shape_cast %mul3A_50 : vector<512xf32> to vector<1x512xf32>
      %add3A_85 = vector.broadcast %broadcast_in_dim3A_55 : vector<512x1xf32> to vector<512x512xf32>
      %add3A_86 = vector.broadcast %broadcast_in_dim3A_84 : vector<1x512xf32> to vector<512x512xf32>
      %add3A_87 = arith.addf %add3A_85, %add3A_86 : vector<512x512xf32>
      %sub3A_88 = arith.subf %add3A_87, %mul3A_83 : vector<512x512xf32>
      %div3A = arith.divf %mul3A_83, %sub3A_88 : vector<512x512xf32>
      %gt3A = arith.constant 5.000000e-01 : f32
      %gt3A_89 = vector.broadcast %gt3A : f32 to vector<512x512xf32>
      %gt3A_90 = arith.cmpf ogt, %div3A, %gt3A_89 : vector<512x512xf32>
      %and3A = arith.andi %gt3A_90, %lt3A : vector<512x512xi1>
      %jit3A = arith.constant 1.000000e+00 : f32
      %jit3A_91 = arith.constant 0.000000e+00 : f32
      %broadcast_in_dim3A_92 = vector.broadcast %jit3A : f32 to vector<512x512xf32>
      %broadcast_in_dim3A_93 = vector.broadcast %jit3A_91 : f32 to vector<512x512xf32>
      %select_n3A = arith.select %and3A, %broadcast_in_dim3A_92, %broadcast_in_dim3A_93 : vector<512x512xi1>, vector<512x512xf32>
      %broadcast_in_dim3A_94 = arith.constant 0.000000e+00 : f32
      %broadcast_in_dim3A_95 = vector.broadcast %broadcast_in_dim3A_94 : f32 to vector<512xf32>
      %while3A = arith.constant 1 : i32
      %while3A_96:2 = scf.while (%while3A_129 = %broadcast_in_dim3A_95, %while3A_130 = %while3A) : (vector<512xf32>, i32) -> (vector<512xf32>, i32) {
        %gt3A_131 = arith.constant 0 : i32
        %gt3A_132 = arith.cmpi sgt, %while3A_130, %gt3A_131 : i32
        scf.condition(%gt3A_132) %while3A_129, %while3A_130 : vector<512xf32>, i32
      } do {
      ^bb0(%while3A_129: vector<512xf32>, %while3A_130: i32):
        %sub3A_131 = arith.constant 1.000000e+00 : f32
        %sub3A_132 = vector.broadcast %sub3A_131 : f32 to vector<512xf32>
        %sub3A_133 = arith.subf %sub3A_132, %while3A_129 : vector<512xf32>
        %mul3A_134 = arith.mulf %get3A_59, %sub3A_133 : vector<512xf32>
        %broadcast_in_dim3A_135 = vector.shape_cast %mul3A_134 : vector<512xf32> to vector<1x512xf32>
        %dot_general3A_136 = arith.constant dense<0.000000e+00> : vector<1x512xf32>
        %dot_general3A_137 = tpu.matmul %broadcast_in_dim3A_135, %select_n3A, %dot_general3A_136 {dimension_numbers = #tpu.dot_dimension_numbers<[1], [0], [0], [1], [0, 0, 1, 1], [], []>, transpose_lhs_hint = false} : vector<1x512xf32>, vector<512x512xf32>, vector<1x512xf32> -> vector<1x512xf32>
        %reshape3A_138 = vector.shape_cast %dot_general3A_137 : vector<1x512xf32> to vector<512xf32>
        %eq3A_139 = arith.constant 0.000000e+00 : f32
        %eq3A_140 = vector.broadcast %eq3A_139 : f32 to vector<512xf32>
        %eq3A_141 = arith.cmpf oeq, %reshape3A_138, %eq3A_140 : vector<512xf32>
        %jit3A_142 = arith.constant 1.000000e+00 : f32
        %jit3A_143 = arith.constant 0.000000e+00 : f32
        %broadcast_in_dim3A_144 = vector.broadcast %jit3A_142 : f32 to vector<512xf32>
        %broadcast_in_dim3A_145 = vector.broadcast %jit3A_143 : f32 to vector<512xf32>
        %select_n3A_146 = arith.select %eq3A_141, %broadcast_in_dim3A_144, %broadcast_in_dim3A_145 : vector<512xi1>, vector<512xf32>
        %mul3A_147 = arith.mulf %mul3A_134, %select_n3A_146 : vector<512xf32>
        %broadcast_in_dim3A_148 = vector.shape_cast %mul3A_147 : vector<512xf32> to vector<1x512xf32>
        %dot_general3A_149 = arith.constant dense<0.000000e+00> : vector<1x512xf32>
        %dot_general3A_150 = tpu.matmul %broadcast_in_dim3A_148, %select_n3A, %dot_general3A_149 {dimension_numbers = #tpu.dot_dimension_numbers<[1], [0], [0], [1], [0, 0, 1, 1], [], []>, transpose_lhs_hint = false} : vector<1x512xf32>, vector<512x512xf32>, vector<1x512xf32> -> vector<1x512xf32>
        %reshape3A_151 = vector.shape_cast %dot_general3A_150 : vector<1x512xf32> to vector<512xf32>
        %gt3A_152 = arith.constant 0.000000e+00 : f32
        %gt3A_153 = vector.broadcast %gt3A_152 : f32 to vector<512xf32>
        %gt3A_154 = arith.cmpf ogt, %reshape3A_151, %gt3A_153 : vector<512xf32>
        %jit3A_155 = arith.constant 1.000000e+00 : f32
        %jit3A_156 = arith.constant 0.000000e+00 : f32
        %broadcast_in_dim3A_157 = vector.broadcast %jit3A_155 : f32 to vector<512xf32>
        %broadcast_in_dim3A_158 = vector.broadcast %jit3A_156 : f32 to vector<512xf32>
        %select_n3A_159 = arith.select %gt3A_154, %broadcast_in_dim3A_157, %broadcast_in_dim3A_158 : vector<512xi1>, vector<512xf32>
        %sub3A_160 = arith.constant 1.000000e+00 : f32
        %sub3A_161 = vector.broadcast %sub3A_160 : f32 to vector<512xf32>
        %sub3A_162 = arith.subf %sub3A_161, %while3A_129 : vector<512xf32>
        %mul3A_163 = arith.mulf %select_n3A_159, %sub3A_162 : vector<512xf32>
        %add3A_164 = arith.addf %while3A_129, %mul3A_163 : vector<512xf32>
        %reduce_sum3A = vector.shape_cast %mul3A_163 : vector<512xf32> to vector<1x512xf32>
        %reduce_sum3A_165 = arith.constant dense<0.000000e+00> : vector<1xf32>
        %reduce_sum3A_166 = vector.multi_reduction <add>, %reduce_sum3A, %reduce_sum3A_165 [1] : vector<1x512xf32> to vector<1xf32>
        %reduce_sum3A_167 = vector.shape_cast %reduce_sum3A_166 : vector<1xf32> to vector<1x1xf32>
        %reduce_sum3A_168 = vector.extract %reduce_sum3A_167[0, 0] : f32 from vector<1x1xf32>
        %gt3A_169 = arith.constant 0.000000e+00 : f32
        %gt3A_170 = arith.cmpf ogt, %reduce_sum3A_168, %gt3A_169 : f32
        %convert_element_type3A = arith.extui %gt3A_170 : i1 to i32
        scf.yield %add3A_164, %convert_element_type3A : vector<512xf32>, i32
      }
      %sub3A_97 = arith.constant 1.000000e+00 : f32
      %sub3A_98 = vector.broadcast %sub3A_97 : f32 to vector<512xf32>
      %sub3A_99 = arith.subf %sub3A_98, %while3A_96#0 : vector<512xf32>
      %mul3A_100 = arith.mulf %get3A_59, %sub3A_99 : vector<512xf32>
      %broadcast_in_dim3A_101 = vector.shape_cast %mul3A_100 : vector<512xf32> to vector<1x512xf32>
      %dot_general3A = arith.constant dense<0.000000e+00> : vector<1x512xf32>
      %dot_general3A_102 = tpu.matmul %broadcast_in_dim3A_101, %select_n3A, %dot_general3A {dimension_numbers = #tpu.dot_dimension_numbers<[1], [0], [0], [1], [0, 0, 1, 1], [], []>, transpose_lhs_hint = false} : vector<1x512xf32>, vector<512x512xf32>, vector<1x512xf32> -> vector<1x512xf32>
      %reshape3A = vector.shape_cast %dot_general3A_102 : vector<1x512xf32> to vector<512xf32>
      %eq3A = arith.constant 0.000000e+00 : f32
      %eq3A_103 = vector.broadcast %eq3A : f32 to vector<512xf32>
      %eq3A_104 = arith.cmpf oeq, %reshape3A, %eq3A_103 : vector<512xf32>
      %jit3A_105 = arith.constant 1.000000e+00 : f32
      %jit3A_106 = arith.constant 0.000000e+00 : f32
      %broadcast_in_dim3A_107 = vector.broadcast %jit3A_105 : f32 to vector<512xf32>
      %broadcast_in_dim3A_108 = vector.broadcast %jit3A_106 : f32 to vector<512xf32>
      %select_n3A_109 = arith.select %eq3A_104, %broadcast_in_dim3A_107, %broadcast_in_dim3A_108 : vector<512xi1>, vector<512xf32>
      %mul3A_110 = arith.mulf %get3A_59, %select_n3A_109 : vector<512xf32>
      %swap3A_111 = arith.index_cast %scan3A_23 : i32 to index
      %swap3A_112 = arith.constant 0 : index
      %swap3A_113 = vector.load %arg6[%swap3A_111, %swap3A_112] : memref<40x512xf32, #tpu.memory_space<vmem>>, vector<1x512xf32>
      %swap3A_114 = vector.shape_cast %swap3A_113 : vector<1x512xf32> to vector<512xf32>
      %swap3A_115 = vector.shape_cast %mul3A_110 : vector<512xf32> to vector<1x512xf32>
      tpu.vector_store %arg6[%swap3A_111, %swap3A_112], %swap3A_115 {strides = array<i32>} : memref<40x512xf32, #tpu.memory_space<vmem>>, vector<1x512xf32>,
      %add3A_116 = arith.constant 1 : i32
      %add3A_117 = arith.addi %scan3A_23, %add3A_116 : i32
      %get3A_118 = arith.index_cast %scan3A_23 : i32 to index
      %get3A_119 = memref.load %arg0[%get3A_118] : memref<40xi32, #tpu.memory_space<smem>>
      %while3A_120 = arith.constant 0 : i32
      %while3A_121 = arith.subi %get3A_119, %add3A_117 : i32
      %while3A_122 = arith.addi %add3A_117, %while3A_121 : i32
      %while3A_123 = arith.constant 1 : i32
      %while3A_124 = arith.divsi %while3A_121, %while3A_123 : i32
      %while3A_125 = arith.muli %while3A_124, %while3A_123 : i32
      %while3A_126 = arith.addi %add3A_117, %while3A_125 : i32
      %while3A_127 = arith.constant 1 : i32
      scf.for %while3A_129 = %add3A_117 to %while3A_126 step %while3A_127  : i32 {
        %get3A_130 = arith.index_cast %while3A_129 : i32 to index
        %get3A_131 = arith.constant 0 : index
        %get3A_132 = vector.load %arg5[%get3A_130, %get3A_131] : memref<40x512xf32, #tpu.memory_space<vmem>>, vector<1x512xf32>
        %get3A_133 = vector.shape_cast %get3A_132 : vector<1x512xf32> to vector<512xf32>
        %mul3A_134 = vector.broadcast %add3A_15 : f32 to vector<512xf32>
        %mul3A_135 = arith.mulf %get3A_133, %mul3A_134 : vector<512xf32>
        %get3A_136 = arith.index_cast %while3A_129 : i32 to index
        %get3A_137 = arith.constant 0 : index
        %get3A_138 = vector.load %arg1[%get3A_136, %get3A_137] : memref<40x512xf32, #tpu.memory_space<vmem>>, vector<1x512xf32>
        %get3A_139 = vector.shape_cast %get3A_138 : vector<1x512xf32> to vector<512xf32>
        %add3A_140 = arith.addf %get3A_139, %mul3A_135 : vector<512xf32>
        %get3A_141 = arith.index_cast %while3A_129 : i32 to index
        %get3A_142 = arith.constant 0 : index
        %get3A_143 = vector.load %arg2[%get3A_141, %get3A_142] : memref<40x512xf32, #tpu.memory_space<vmem>>, vector<1x512xf32>
        %get3A_144 = vector.shape_cast %get3A_143 : vector<1x512xf32> to vector<512xf32>
        %add3A_145 = arith.addf %get3A_144, %mul3A_135 : vector<512xf32>
        %get3A_146 = arith.index_cast %while3A_129 : i32 to index
        %get3A_147 = arith.constant 0 : index
        %get3A_148 = vector.load %arg3[%get3A_146, %get3A_147] : memref<40x512xf32, #tpu.memory_space<vmem>>, vector<1x512xf32>
        %get3A_149 = vector.shape_cast %get3A_148 : vector<1x512xf32> to vector<512xf32>
        %add3A_150 = arith.addf %get3A_149, %mul3A_135 : vector<512xf32>
        %get3A_151 = arith.index_cast %while3A_129 : i32 to index
        %get3A_152 = arith.constant 0 : index
        %get3A_153 = vector.load %arg4[%get3A_151, %get3A_152] : memref<40x512xf32, #tpu.memory_space<vmem>>, vector<1x512xf32>
        %get3A_154 = vector.shape_cast %get3A_153 : vector<1x512xf32> to vector<512xf32>
        %add3A_155 = arith.addf %get3A_154, %mul3A_135 : vector<512xf32>
        %sub3A_156 = arith.subf %add3A_150, %add3A_140 : vector<512xf32>
        %sub3A_157 = arith.subf %add3A_155, %add3A_145 : vector<512xf32>
        %mul3A_158 = arith.mulf %sub3A_156, %sub3A_157 : vector<512xf32>
        %broadcast_in_dim3A_159 = vector.shape_cast %add3A_140 : vector<512xf32> to vector<1x512xf32>
        %max3A_160 = vector.broadcast %broadcast_in_dim3A_51 : vector<512x1xf32> to vector<512x512xf32>
        %max3A_161 = vector.broadcast %broadcast_in_dim3A_159 : vector<1x512xf32> to vector<512x512xf32>
        %max3A_162 = arith.maximumf %max3A_160, %max3A_161 : vector<512x512xf32>
        %broadcast_in_dim3A_163 = vector.shape_cast %add3A_145 : vector<512xf32> to vector<1x512xf32>
        %max3A_164 = vector.broadcast %broadcast_in_dim3A_52 : vector<512x1xf32> to vector<512x512xf32>
        %max3A_165 = vector.broadcast %broadcast_in_dim3A_163 : vector<1x512xf32> to vector<512x512xf32>
        %max3A_166 = arith.maximumf %max3A_164, %max3A_165 : vector<512x512xf32>
        %broadcast_in_dim3A_167 = vector.shape_cast %add3A_150 : vector<512xf32> to vector<1x512xf32>
        %min3A_168 = vector.broadcast %broadcast_in_dim3A_53 : vector<512x1xf32> to vector<512x512xf32>
        %min3A_169 = vector.broadcast %broadcast_in_dim3A_167 : vector<1x512xf32> to vector<512x512xf32>
        %min3A_170 = arith.minimumf %min3A_168, %min3A_169 : vector<512x512xf32>
        %broadcast_in_dim3A_171 = vector.shape_cast %add3A_155 : vector<512xf32> to vector<1x512xf32>
        %min3A_172 = vector.broadcast %broadcast_in_dim3A_54 : vector<512x1xf32> to vector<512x512xf32>
        %min3A_173 = vector.broadcast %broadcast_in_dim3A_171 : vector<1x512xf32> to vector<512x512xf32>
        %min3A_174 = arith.minimumf %min3A_172, %min3A_173 : vector<512x512xf32>
        %sub3A_175 = arith.subf %min3A_170, %max3A_162 : vector<512x512xf32>
        %max3A_176 = arith.constant 0.000000e+00 : f32
        %max3A_177 = vector.broadcast %max3A_176 : f32 to vector<512x512xf32>
        %max3A_178 = arith.maximumf %max3A_177, %sub3A_175 : vector<512x512xf32>
        %sub3A_179 = arith.subf %min3A_174, %max3A_166 : vector<512x512xf32>
        %max3A_180 = arith.constant 0.000000e+00 : f32
        %max3A_181 = vector.broadcast %max3A_180 : f32 to vector<512x512xf32>
        %max3A_182 = arith.maximumf %max3A_181, %sub3A_179 : vector<512x512xf32>
        %mul3A_183 = arith.mulf %max3A_178, %max3A_182 : vector<512x512xf32>
        %broadcast_in_dim3A_184 = vector.shape_cast %mul3A_158 : vector<512xf32> to vector<1x512xf32>
        %add3A_185 = vector.broadcast %broadcast_in_dim3A_55 : vector<512x1xf32> to vector<512x512xf32>
        %add3A_186 = vector.broadcast %broadcast_in_dim3A_184 : vector<1x512xf32> to vector<512x512xf32>
        %add3A_187 = arith.addf %add3A_185, %add3A_186 : vector<512x512xf32>
        %sub3A_188 = arith.subf %add3A_187, %mul3A_183 : vector<512x512xf32>
        %div3A_189 = arith.divf %mul3A_183, %sub3A_188 : vector<512x512xf32>
        %gt3A_190 = arith.constant 5.000000e-01 : f32
        %gt3A_191 = vector.broadcast %gt3A_190 : f32 to vector<512x512xf32>
        %gt3A_192 = arith.cmpf ogt, %div3A_189, %gt3A_191 : vector<512x512xf32>
        %jit3A_193 = arith.constant 1.000000e+00 : f32
        %jit3A_194 = arith.constant 0.000000e+00 : f32
        %broadcast_in_dim3A_195 = vector.broadcast %jit3A_193 : f32 to vector<512x512xf32>
        %broadcast_in_dim3A_196 = vector.broadcast %jit3A_194 : f32 to vector<512x512xf32>
        %select_n3A_197 = arith.select %gt3A_192, %broadcast_in_dim3A_195, %broadcast_in_dim3A_196 : vector<512x512xi1>, vector<512x512xf32>
        %broadcast_in_dim3A_198 = vector.shape_cast %mul3A_110 : vector<512xf32> to vector<1x512xf32>
        %dot_general3A_199 = arith.constant dense<0.000000e+00> : vector<1x512xf32>
        %dot_general3A_200 = tpu.matmul %broadcast_in_dim3A_198, %select_n3A_197, %dot_general3A_199 {dimension_numbers = #tpu.dot_dimension_numbers<[1], [0], [0], [1], [0, 0, 1, 1], [], []>, transpose_lhs_hint = false} : vector<1x512xf32>, vector<512x512xf32>, vector<1x512xf32> -> vector<1x512xf32>
        %reshape3A_201 = vector.shape_cast %dot_general3A_200 : vector<1x512xf32> to vector<512xf32>
        %gt3A_202 = arith.constant 0.000000e+00 : f32
        %gt3A_203 = vector.broadcast %gt3A_202 : f32 to vector<512xf32>
        %gt3A_204 = arith.cmpf ogt, %reshape3A_201, %gt3A_203 : vector<512xf32>
        %get3A_205 = arith.index_cast %while3A_129 : i32 to index
        %get3A_206 = arith.constant 0 : index
        %get3A_207 = vector.load %arg7[%get3A_205, %get3A_206] : memref<40x512xf32, #tpu.memory_space<vmem>>, vector<1x512xf32>
        %get3A_208 = vector.shape_cast %get3A_207 : vector<1x512xf32> to vector<512xf32>
        %jit3A_209 = arith.constant 0.000000e+00 : f32
        %broadcast_in_dim3A_210 = vector.broadcast %jit3A_209 : f32 to vector<512xf32>
        %select_n3A_211 = arith.select %gt3A_204, %broadcast_in_dim3A_210, %get3A_208 : vector<512xi1>, vector<512xf32>
        %swap3A_212 = arith.index_cast %while3A_129 : i32 to index
        %swap3A_213 = arith.constant 0 : index
        %swap3A_214 = vector.load %arg7[%swap3A_212, %swap3A_213] : memref<40x512xf32, #tpu.memory_space<vmem>>, vector<1x512xf32>
        %swap3A_215 = vector.shape_cast %swap3A_214 : vector<1x512xf32> to vector<512xf32>
        %swap3A_216 = vector.shape_cast %select_n3A_211 : vector<512xf32> to vector<1x512xf32>
        tpu.vector_store %arg7[%swap3A_212, %swap3A_213], %swap3A_216 {strides = array<i32>} : memref<40x512xf32, #tpu.memory_space<vmem>>, vector<1x512xf32>,
      }
      %while3A_128 = arith.constant 1 : i32
      scf.for %while3A_129 = %while3A_126 to %while3A_122 step %while3A_128  : i32 {
        %get3A_130 = arith.index_cast %while3A_129 : i32 to index
        %get3A_131 = arith.constant 0 : index
        %get3A_132 = vector.load %arg5[%get3A_130, %get3A_131] : memref<40x512xf32, #tpu.memory_space<vmem>>, vector<1x512xf32>
        %get3A_133 = vector.shape_cast %get3A_132 : vector<1x512xf32> to vector<512xf32>
        %mul3A_134 = vector.broadcast %add3A_15 : f32 to vector<512xf32>
        %mul3A_135 = arith.mulf %get3A_133, %mul3A_134 : vector<512xf32>
        %get3A_136 = arith.index_cast %while3A_129 : i32 to index
        %get3A_137 = arith.constant 0 : index
        %get3A_138 = vector.load %arg1[%get3A_136, %get3A_137] : memref<40x512xf32, #tpu.memory_space<vmem>>, vector<1x512xf32>
        %get3A_139 = vector.shape_cast %get3A_138 : vector<1x512xf32> to vector<512xf32>
        %add3A_140 = arith.addf %get3A_139, %mul3A_135 : vector<512xf32>
        %get3A_141 = arith.index_cast %while3A_129 : i32 to index
        %get3A_142 = arith.constant 0 : index
        %get3A_143 = vector.load %arg2[%get3A_141, %get3A_142] : memref<40x512xf32, #tpu.memory_space<vmem>>, vector<1x512xf32>
        %get3A_144 = vector.shape_cast %get3A_143 : vector<1x512xf32> to vector<512xf32>
        %add3A_145 = arith.addf %get3A_144, %mul3A_135 : vector<512xf32>
        %get3A_146 = arith.index_cast %while3A_129 : i32 to index
        %get3A_147 = arith.constant 0 : index
        %get3A_148 = vector.load %arg3[%get3A_146, %get3A_147] : memref<40x512xf32, #tpu.memory_space<vmem>>, vector<1x512xf32>
        %get3A_149 = vector.shape_cast %get3A_148 : vector<1x512xf32> to vector<512xf32>
        %add3A_150 = arith.addf %get3A_149, %mul3A_135 : vector<512xf32>
        %get3A_151 = arith.index_cast %while3A_129 : i32 to index
        %get3A_152 = arith.constant 0 : index
        %get3A_153 = vector.load %arg4[%get3A_151, %get3A_152] : memref<40x512xf32, #tpu.memory_space<vmem>>, vector<1x512xf32>
        %get3A_154 = vector.shape_cast %get3A_153 : vector<1x512xf32> to vector<512xf32>
        %add3A_155 = arith.addf %get3A_154, %mul3A_135 : vector<512xf32>
        %sub3A_156 = arith.subf %add3A_150, %add3A_140 : vector<512xf32>
        %sub3A_157 = arith.subf %add3A_155, %add3A_145 : vector<512xf32>
        %mul3A_158 = arith.mulf %sub3A_156, %sub3A_157 : vector<512xf32>
        %broadcast_in_dim3A_159 = vector.shape_cast %add3A_140 : vector<512xf32> to vector<1x512xf32>
        %max3A_160 = vector.broadcast %broadcast_in_dim3A_51 : vector<512x1xf32> to vector<512x512xf32>
        %max3A_161 = vector.broadcast %broadcast_in_dim3A_159 : vector<1x512xf32> to vector<512x512xf32>
        %max3A_162 = arith.maximumf %max3A_160, %max3A_161 : vector<512x512xf32>
        %broadcast_in_dim3A_163 = vector.shape_cast %add3A_145 : vector<512xf32> to vector<1x512xf32>
        %max3A_164 = vector.broadcast %broadcast_in_dim3A_52 : vector<512x1xf32> to vector<512x512xf32>
        %max3A_165 = vector.broadcast %broadcast_in_dim3A_163 : vector<1x512xf32> to vector<512x512xf32>
        %max3A_166 = arith.maximumf %max3A_164, %max3A_165 : vector<512x512xf32>
        %broadcast_in_dim3A_167 = vector.shape_cast %add3A_150 : vector<512xf32> to vector<1x512xf32>
        %min3A_168 = vector.broadcast %broadcast_in_dim3A_53 : vector<512x1xf32> to vector<512x512xf32>
        %min3A_169 = vector.broadcast %broadcast_in_dim3A_167 : vector<1x512xf32> to vector<512x512xf32>
        %min3A_170 = arith.minimumf %min3A_168, %min3A_169 : vector<512x512xf32>
        %broadcast_in_dim3A_171 = vector.shape_cast %add3A_155 : vector<512xf32> to vector<1x512xf32>
        %min3A_172 = vector.broadcast %broadcast_in_dim3A_54 : vector<512x1xf32> to vector<512x512xf32>
        %min3A_173 = vector.broadcast %broadcast_in_dim3A_171 : vector<1x512xf32> to vector<512x512xf32>
        %min3A_174 = arith.minimumf %min3A_172, %min3A_173 : vector<512x512xf32>
        %sub3A_175 = arith.subf %min3A_170, %max3A_162 : vector<512x512xf32>
        %max3A_176 = arith.constant 0.000000e+00 : f32
        %max3A_177 = vector.broadcast %max3A_176 : f32 to vector<512x512xf32>
        %max3A_178 = arith.maximumf %max3A_177, %sub3A_175 : vector<512x512xf32>
        %sub3A_179 = arith.subf %min3A_174, %max3A_166 : vector<512x512xf32>
        %max3A_180 = arith.constant 0.000000e+00 : f32
        %max3A_181 = vector.broadcast %max3A_180 : f32 to vector<512x512xf32>
        %max3A_182 = arith.maximumf %max3A_181, %sub3A_179 : vector<512x512xf32>
        %mul3A_183 = arith.mulf %max3A_178, %max3A_182 : vector<512x512xf32>
        %broadcast_in_dim3A_184 = vector.shape_cast %mul3A_158 : vector<512xf32> to vector<1x512xf32>
        %add3A_185 = vector.broadcast %broadcast_in_dim3A_55 : vector<512x1xf32> to vector<512x512xf32>
        %add3A_186 = vector.broadcast %broadcast_in_dim3A_184 : vector<1x512xf32> to vector<512x512xf32>
        %add3A_187 = arith.addf %add3A_185, %add3A_186 : vector<512x512xf32>
        %sub3A_188 = arith.subf %add3A_187, %mul3A_183 : vector<512x512xf32>
        %div3A_189 = arith.divf %mul3A_183, %sub3A_188 : vector<512x512xf32>
        %gt3A_190 = arith.constant 5.000000e-01 : f32
        %gt3A_191 = vector.broadcast %gt3A_190 : f32 to vector<512x512xf32>
        %gt3A_192 = arith.cmpf ogt, %div3A_189, %gt3A_191 : vector<512x512xf32>
        %jit3A_193 = arith.constant 1.000000e+00 : f32
        %jit3A_194 = arith.constant 0.000000e+00 : f32
        %broadcast_in_dim3A_195 = vector.broadcast %jit3A_193 : f32 to vector<512x512xf32>
        %broadcast_in_dim3A_196 = vector.broadcast %jit3A_194 : f32 to vector<512x512xf32>
        %select_n3A_197 = arith.select %gt3A_192, %broadcast_in_dim3A_195, %broadcast_in_dim3A_196 : vector<512x512xi1>, vector<512x512xf32>
        %broadcast_in_dim3A_198 = vector.shape_cast %mul3A_110 : vector<512xf32> to vector<1x512xf32>
        %dot_general3A_199 = arith.constant dense<0.000000e+00> : vector<1x512xf32>
        %dot_general3A_200 = tpu.matmul %broadcast_in_dim3A_198, %select_n3A_197, %dot_general3A_199 {dimension_numbers = #tpu.dot_dimension_numbers<[1], [0], [0], [1], [0, 0, 1, 1], [], []>, transpose_lhs_hint = false} : vector<1x512xf32>, vector<512x512xf32>, vector<1x512xf32> -> vector<1x512xf32>
        %reshape3A_201 = vector.shape_cast %dot_general3A_200 : vector<1x512xf32> to vector<512xf32>
        %gt3A_202 = arith.constant 0.000000e+00 : f32
        %gt3A_203 = vector.broadcast %gt3A_202 : f32 to vector<512xf32>
        %gt3A_204 = arith.cmpf ogt, %reshape3A_201, %gt3A_203 : vector<512xf32>
        %get3A_205 = arith.index_cast %while3A_129 : i32 to index
        %get3A_206 = arith.constant 0 : index
        %get3A_207 = vector.load %arg7[%get3A_205, %get3A_206] : memref<40x512xf32, #tpu.memory_space<vmem>>, vector<1x512xf32>
        %get3A_208 = vector.shape_cast %get3A_207 : vector<1x512xf32> to vector<512xf32>
        %jit3A_209 = arith.constant 0.000000e+00 : f32
        %broadcast_in_dim3A_210 = vector.broadcast %jit3A_209 : f32 to vector<512xf32>
        %select_n3A_211 = arith.select %gt3A_204, %broadcast_in_dim3A_210, %get3A_208 : vector<512xi1>, vector<512xf32>
        %swap3A_212 = arith.index_cast %while3A_129 : i32 to index
        %swap3A_213 = arith.constant 0 : index
        %swap3A_214 = vector.load %arg7[%swap3A_212, %swap3A_213] : memref<40x512xf32, #tpu.memory_space<vmem>>, vector<1x512xf32>
        %swap3A_215 = vector.shape_cast %swap3A_214 : vector<1x512xf32> to vector<512xf32>
        %swap3A_216 = vector.shape_cast %select_n3A_211 : vector<512xf32> to vector<1x512xf32>
        tpu.vector_store %arg7[%swap3A_212, %swap3A_213], %swap3A_216 {strides = array<i32>} : memref<40x512xf32, #tpu.memory_space<vmem>>, vector<1x512xf32>,
      }
    }
    %scan3A_22 = arith.constant 40 : i32
    return
  }
}

</mosaic_0001>

<sc_bundles>
// kernel: gather_offload_async_start
scs
__scs_entry_jumppad:
0x0: {  	(pc) =	sbr.rel $0x88, $3  }
0x1: {  	(tag) =	ssettag $0x0;
	lr =	simm.s32 $0x1  }
0x2: {  	[smem:$0x3F9E] =	sst lr;
	_ =	strace $0xD0000000  }
0x3: {  	_ = 	snop  }
0x4: {  	_ = 	snop  }
0x5: {  	_ = 	snop  }
0x6: {  	_ = 	snop  }
0x7: {  	_ = 	snop  }
__scs_overlays_trampoline_lowered:
0x8: {  	[smem:$0x3FAD] =	sst s0  }
0x9: {  	[smem:$0x3FAE] =	sst s1  }
0xa: {  	[smem:$0x3FAF] =	sst s2  }
0xb: {  	[smem:$0x3FB0] =	sst s3  }
0xc: {  	[smem:$0x3FB1] =	sst s4  }
0xd: {  	[smem:$0x3FB2] =	sst s5  }
0xe: {  	[smem:$0x3FB3] =	sst s6  }
0xf: {  	[smem:$0x3FB4] =	sst s7  }
0x10: {  	[smem:$0x3FB5] =	sst s8  }
0x11: {  	[smem:$0x3FB6] =	sst s9;
	s0 =	simm.s32 @!p0 $0x0  }
0x12: {  	s1 =	sld [smem:$0x3F9C];
	s0 =	simm.s32 @p0 $0x1  }
0x13: {  	[smem:$0x3FB7] =	sst s0;
	s0 =	simm.s32 @!p1 $0x0  }
0x14: {  	s2 =	sld [smem:$0x3F9B];
	s0 =	simm.s32 @p1 $0x1  }
0x15: {  	[smem:$0x3FB8] =	sst s0;
	s0 =	simm.s32 @!p2 $0x0  }
0x16: {  	s3 =	sld [smem:$0x3FDB];
	s0 =	simm.s32 @p2 $0x1  }
0x17: {  	s4 =	simm.s32 $0x1BF5;
	[smem:$0x3FBA] =	sst s0  }
0x18: {  	s0 =	sld [smem:$0x3F9D];
	_ =	swait.ge [sflag:s4], $0x0  }
0x19: {  	s7 =	sld [smem:$0x3F9E]  }
0x1a: {  	s8 =	sadd.s32 $0xFFFFE003, lr  }
0x1b: {  	s9 =	sadd.s32 $0xFFFFFEF7, lr;
	s5 =	simm.s32 $0xFFFFFFFF;
	p2 =	slt.u32 s8, $0xFFFFF086  }
0x1c: {  	p1 =	slt.u32 s9, $0xF7A;
	s5 =	simm.s32 @!p2 $0x0  }
0x1d: {  	s5 =	simm.s32 @p1 $0x1;
	p0 =	seq.s32 s7, s2  }
0x1e: {  	s7 =	smul.u32 @!p0 $0xF7A, s2;
	p2 =	seq.s32 @!p0 s5, $0x0  }
0x1f: {  	s9 =	smul.u32 $0xF7A, s1;
	s8 =	simm.s32 @!p0 $0x1BF5;
	p2 =	por !p2, p0  }
0x20: {  	[sflag:s8] =	ssyncset.s32 @!p0 $0xFFFFF086;
	s6 =	sadd.s32 @!p0 s3, s7;
	s7 =	simm.s32 @!p0 $0x108  }
0x21: {  	s3 =	sadd.s32 s3, s9;
	s6 =	sadd.s32 @!p0 $0x88, s6;
	s7 =	simm.s32 @p2 $0x1082  }
0x22: {  	[simem:s7], [sflag:s8] =	dma.local @!p0 [hbm:s6], $0xF7A  }
0x23: {  	s9 =	sor.u32 $0xD0000000, s2;
	s6 =	simm.s32 $0x108;
	_ =	swait.ge @!p0 [sflag:s8], $0x0  }
0x24: {  	s3 =	sadd.s32 $0x88, s3;
	s6 =	simm.s32 @!p1 $0x1082;
	[sflag:s4] =	ssyncset.s32 $0xFFFFF086  }
0x25: {  	[simem:s6], [sflag:s4] =	dma.local [hbm:s3], $0xF7A  }
0x26: {  	[smem:$0x3F9E] =	sst s1;
	(tag) =	ssettag s2;
	_ =	strace s9  }
0x27: {  	s1 =	sld [smem:$0x3FAE]  }
0x28: {  	s2 =	sld [smem:$0x3FAF]  }
0x29: {  	s4 =	sld [smem:$0x3FB1]  }
0x2a: {  	p0 =	seq.s32 s5, $0x0;
	s5 =	sld [smem:$0x3FB2]  }
0x2b: {  	s6 =	sld [smem:$0x3FB3]  }
0x2c: {  	s7 =	sld [smem:$0x3FB4]  }
0x2d: {  	s3 =	simm.s32 $0x108;
	s8 =	sld [smem:$0x3FB5]  }
0x2e: {  	s3 =	simm.s32 @!p0 $0x1082;
	s9 =	sld [smem:$0x3FB6]  }
0x2f: {  	lr =	sadd.s32 s0, s3;
	s0 =	sld [smem:$0x3FAD]  }
0x30: {  	s3 =	sld [smem:$0x3FB0]  }
0x31: {  	[smem:$0x3FB9] =	sst s10  }
0x32: {  	s10 =	sld [smem:$0x3FB7];
	_ =	sdelay $0x3  }
0x33: {  	p0 =	seq.s32 s10, $0x1;
	s10 =	sld [smem:$0x3FB9];
	_ =	sdelay $0x3  }
0x34: {  	[smem:$0x3FB9] =	sst s10  }
0x35: {  	s10 =	sld [smem:$0x3FB8];
	_ =	sdelay $0x3  }
0x36: {  	p1 =	seq.s32 s10, $0x1;
	s10 =	sld [smem:$0x3FB9];
	_ =	sdelay $0x3  }
0x37: {  	[smem:$0x3FB9] =	sst s10  }
0x38: {  	s10 =	sld [smem:$0x3FBA]  }
0x39: {  	_ = 	snop;
	(pc) =	sbr.ind lr, $3  }
0x3a: {  	_ = 	snop  }
0x3b: {  	_ = 	snop  }
0x3c: {  	p2 =	seq.s32 s10, $0x1;
	s10 =	sld [smem:$0x3FB9]  }
0x3d: {  	_ =	shalt  }
0x3e: {  	_ =	shalt  }
0x3f: {  	_ =	shalt  }
0x40: {  	_ =	shalt  }
0x41: {  	_ =	shalt  }
0x42: {  	_ =	shalt  }
0x43: {  	_ =	shalt  }
0x44: {  	_ =	shalt  }
0x45: {  	_ =	shalt  }
0x46: {  	_ =	shalt  }
0x47: {  	_ =	shalt  }
0x48: {  	_ =	shalt  }
0x49: {  	_ =	shalt  }
0x4a: {  	_ =	shalt  }
0x4b: {  	_ =	shalt  }
0x4c: {  	_ =	shalt  }
0x4d: {  	_ =	shalt  }
0x4e: {  	_ =	shalt  }
0x4f: {  	_ =	shalt  }
0x50: {  	_ =	shalt  }
0x51: {  	_ =	shalt  }
0x52: {  	_ =	shalt  }
0x53: {  	_ =	shalt  }
0x54: {  	_ =	shalt  }
0x55: {  	_ =	shalt  }
0x56: {  	_ =	shalt  }
0x57: {  	_ =	shalt  }
0x58: {  	_ =	shalt  }
0x59: {  	_ =	shalt  }
0x5a: {  	_ =	shalt  }
0x5b: {  	_ =	shalt  }
0x5c: {  	_ =	shalt  }
0x5d: {  	_ =	shalt  }
0x5e: {  	_ =	shalt  }
0x5f: {  	_ =	shalt  }
0x60: {  	_ =	shalt  }
0x61: {  	_ =	shalt  }
0x62: {  	_ =	shalt  }
0x63: {  	_ =	shalt  }
0x64: {  	_ =	shalt  }
0x65: {  	_ =	shalt  }
0x66: {  	_ =	shalt  }
0x67: {  	_ =	shalt  }
0x68: {  	_ =	shalt  }
0x69: {  	_ =	shalt  }
0x6a: {  	_ =	shalt  }
0x6b: {  	_ =	shalt  }
0x6c: {  	_ =	shalt  }
0x6d: {  	_ =	shalt  }
0x6e: {  	_ =	shalt  }
0x6f: {  	_ =	shalt  }
0x70: {  	_ =	shalt  }
0x71: {  	_ =	shalt  }
0x72: {  	_ =	shalt  }
0x73: {  	_ =	shalt  }
0x74: {  	_ =	shalt  }
0x75: {  	_ =	shalt  }
0x76: {  	_ =	shalt  }
0x77: {  	_ =	shalt  }
0x78: {  	_ =	shalt  }
0x79: {  	_ =	shalt  }
0x7a: {  	_ =	shalt  }
0x7b: {  	_ =	shalt  }
0x7c: {  	_ =	shalt  }
0x7d: {  	_ =	shalt  }
0x7e: {  	_ =	shalt  }
0x7f: {  	_ =	shalt  }
0x80: {  	_ =	shalt  }
0x81: {  	_ =	shalt  }
0x82: {  	_ =	shalt  }
0x83: {  	_ =	shalt  }
0x84: {  	_ =	shalt  }
0x85: {  	_ =	shalt  }
0x86: {  	_ =	shalt  }
0x87: {  	_ =	shalt  }
.Lfunc_end0:
.L_simem_size_0:
called_computation_lowered:
.L_overlay_start_0:
0x88: {  	s2 =	sld [smem:$0x3FD9]  }
0x89: {  	s3 =	sld [smem:$0x3FFE];
	_ =	sdelay $0x1  }
0x8a: {  	s1 =	srdreg.scid  }
0x8b: {  	s0 =	sand.u32 $0x1, s1  }
0x8c: {  	s14 =	sshll.u32 s0, $0xA;
	s2 =	sadd.s32 s3, s2  }
0x8d: {  	s2 =	sadd.s32 s2, s14  }
0x8e: {  	[smem:$0x3FC5] =	sst s2  }
0x8f: {  	_ = 	snop  }
0x90: {  	s2 =	sld [smem:$0x3FD0];
	_ =	sdelay $0x2  }
0x91: {  	s15 =	simm.s32 $0xA;
	s4 =	simm.s32 $0x10  }
0x92: {  	[smem:s4], [sflag:s15] =	dma.local [hbm:s2], $0x1  }
0x93: {  	_ =	swait.eq [sflag:s15], $0x1  }
0x94: {  	[sflag:s15] =	ssyncset.done $0x0  }
0x95: {  	s16 =	sld [smem:$0x10];
	[sflag:s15] =	ssyncadd.s32 $0xFFFFFFFF  }
0x96: {  	s17 =	sld [smem:$0x11];
	(tm) =	ssettm $0x1  }
0x97: {  	s18 =	sld [smem:$0x3FFB];
	_ =	sdelay $0x3  }
0x98: {  	_ =	strace s18  }
0x99: {  	s4 =	sld [smem:$0x3FFC];
	_ =	sdelay $0x3  }
0x9a: {  	_ =	strace s4  }
0x9b: {  	s4 =	sld [smem:$0x3FFD];
	_ =	sdelay $0x3  }
0x9c: {  	_ =	strace s4  }
0x9d: {  	_ =	strace $0x8FFFFFFF  }
0x9e: {  	s19 =	sld [smem:$0x3FDB];
	_ =	sdelay $0x1  }
0x9f: {  	s5 =	simm.s32 $_scs_section_size  }
0xa0: {  	s6 =	simm.s32 $_size__tile_overlayer_lowered;
	s7 =	simm.s32 $_tile_overlayer_lowered  }
0xa1: {  	s22 =	simm.s32 $0x1BFF;
	s21 =	sshll.u32 s7, $0x1;
	s4 =	sadd.s32 s5, s19  }
0xa2: {  	s8 =	simm.s32 $0x0;
	s20 =	sshll.u32 s6, $0x1;
	s6 =	sadd.s32 s21, s4  }
0xa3: {  	[timem:s8], [sflag:s22] =	dma.local [hbm:s6], s20  }
0xa4: {  	_ =	swait.ge [sflag:s22], s20  }
0xa5: {  	s5 =	ssub.s32 $0x0, s20;
	[sflag:s22] =	ssyncset.done $0x0  }
0xa6: {  	[sflag:s22] =	ssyncadd.s32 s5;
	_ =	sdelay $0x1  }
0xa7: {  	s23 =	simm.s32 $0x1B8B  }
0xa8: {  	_ =	swait.ge [sflag:s23], $0x1  }
0xa9: {  	[sflag:s23] =	ssyncset.done $0x0  }
0xaa: {  	s25 =	simm.s32 $0x1B8E;
	s24 =	sld [smem:$0x3FFE];
	[sflag:s23] =	ssyncadd.s32 $0xFFFFFFFF  }
0xab: {  	s26 =	simm.s32 $execute0_lowered;
	[smem:$0x3FD2] =	sst s25  }
0xac: {  	s6 =	sshll.u32 s26, $0x1;
	_ =	strace $0x80000046;
	[dreg:$0x1] =	wrdreg $0xFFFFFFFF  }
0xad: {  	s28 =	simm.s32 $_size_execute0_lowered;
	s4 =	sadd.s32 s4, s6;
	[dreg:$0x0] =	wrdreg $0x0  }
0xae: {  	s6 =	sshll.u32 s28, $0x1;
	[dreg:$0x2] =	wrdreg s4  }
0xaf: {  	[dreg:$0x3] =	wrdreg s6  }
0xb0: {  	[dreg:$0x4] =	wrdreg $0xC0  }
0xb1: {  	_ =	task [dreg:s8], $0x5FFFF  }
0xb2: {  	[dreg:$0x1] =	wrdreg $0xFFFFFFFF  }
0xb3: {  	[dreg:$0x0] =	wrdreg $0x60  }
0xb4: {  	[dreg:$0x2] =	wrdreg s16  }
0xb5: {  	[dreg:$0x3] =	wrdreg s17  }
0xb6: {  	[dreg:$0x4] =	wrdreg s24  }
0xb7: {  	[dreg:$0x5] =	wrdreg $0x9  }
0xb8: {  	_ =	task.clear_ibuf [dreg:s8], $0x6FFFF;
	_ =	strace $0x90000046  }
0xb9: {  	s29 =	simm.s32 $0x9;
	_ =	strace $0x80000048  }
0xba: {  	_ =	swait.ge [sflag:s29], $0x1  }
0xbb: {  	[sflag:s29] =	ssyncadd.s32 $0xFFFFFFFF  }
0xbc: {  	_ =	strace $0x90000048  }
0xbd: {  	_ =	sfence  }
0xbe: {  	s30 =	sld [smem:$0x0];
	_ =	sdelay $0x2  }
0xbf: {  	s31 =	sshll.u32 s1, $0xD;
	s1 =	sshrl.u32 s1, $0x2  }
0xc0: {  	s3 =	sand.u32 $0x4000, s31;
	s1 =	sadd.s32 s1, s30  }
0xc1: {  	s0 =	sor.u32 s3, s0;
	s1 =	sshll.u32 s1, $0x11  }
0xc2: {  	s0 =	sor.u32 s1, s0  }
0xc3: {  	s0 =	sadd.s32 $0x8F2B, s0  }
0xc4: {  	[sflag:s0] =	ssyncadd.remote.s32 $0x1  }
0xc5: {  	_ =	sfence.sel $0xFFFF  }
0xc6: {  	[dreg:$0x0] =	wrdreg $0xFFFFFFFF;
	(pc) =	sbr.abs _section_cstart, $3  }
0xc7: {  	[dreg:$0x1] =	wrdreg $0xFFFFFFFF  }
0xc8: {  	_ =	task.clear_ibuf [dreg:s8], $0x2FFFF;
	_ =	strace $0x9FFFFFFF  }
0xc9: {  	(tm) =	ssettm $0x7FFFFFFF  }
tec
execute0_lowered:
.L_overlay_start_1:
0x0: {  	(tag) =	ssettag $0x1  }
0x1: {  	s2 =	rddreg [dreg:$0x0]  }
0x2: {  	s3 =	rddreg [dreg:$0x1]  }
0x3: {  	s4 =	rddreg [dreg:$0x2];
	s1 =	stileid.u32  }
0x4: {  	s5 =	srdreg.scid;
	s0 =	rddreg [dreg:$0x3]  }
0x5: {  	_ =	strace $0x80000047;
	s8 =	simm.s32 $0x1;
	s9 =	simm.s32 $0x1  }
0x6: {  	s10 =	simm.s32 $0x3;
	s6 =	sand.u32 $0x1, s5;
	s7 =	sshll.u32 s1, $0x1  }
0x7: {  	s13 =	simm.s32 $0x0;
	s5 =	simm.s32 $0x1;
	s6 =	sor.u32 s7, s6  }
.Ltmp0:
0x8: {  	[sflag:s5] =	ssyncpa.u1 $0x0;
	p0 =	slt.u32 s6, $0x13;
	(pc) =	sbr.rel .LBB2_1-.Ltmp0, $4  }
0x9: {  	s7 =	simm.s32 $0x2;
	s8 =	simm.s32 @!p0 $0x0;
	p0 =	sne.s32 s6, $0x12  }
0xa: {  	[sflag:s7] =	ssyncpa.u1 $0x0;
	s6 =	smul.u32 $0x190, s6;
	s9 =	simm.s32 @!p0 $0x0  }
0xb: {  	s12 =	simm.s32 $0x0;
	[sflag:s10] =	ssyncpa.u1 $0x0;
	s8 =	sadd.s32 s9, s8  }
0xc: {  	vm0 =	vmmov $0xffff;
	s10 =	simm.s32 $0x0;
	s11 =	smov.u32 s6;
	s9 =	sadd.s32 $0x1, s8  }
.LBB2_4:
0xd: {  	v2 =	vnsel vm1, $0x0, v2  }
0xe: {  	vm1 =	vgt.s32 v0, $0x0;
	v2 =	vmin.u32 v2, $0x4E1F  }
0xf: {  	v0 =	vnsel vm1, $0x0, v0  }
0x10: {  	v0 =	vmin.u32 v0, $0x4E1F  }
0x11: {  	[tilespmem:s18], [sflag:$0x1] =	stream.indirect_vreg.gather [hbm4b:s2+s10], $0x1, v1, vm0, $0x4038;
	[tilespmem:$0x640] =	vst v63  }
0x12: {  	(ifvalue) =	ssetifvalue $0x7FFFFFFF  }
0x13: {  	[tilespmem:s15], [sflag:$0x1] =	stream.indirect_vreg.gather [hbm4b:s2+s10], $0x1, v2, vm0, $0x4038;
	[tilespmem:$0x640] =	vst v63  }
0x14: {  	s29 =	sadd.s32 $0x10, s15;
	(ifvalue) =	ssetifvalue $0x7FFFFFFF  }
0x15: {  	[tilespmem:s29], [sflag:$0x1] =	stream.indirect_vreg.gather [hbm4b:s2+s10], $0x1, v0, vm0, $0x4038;
	[tilespmem:$0x640] =	vst v63  }
0x16: {  	_ =	swait.ge [sflag:s5], $0x190  }
0x17: {  	s30 =	sshrl.u32 s13, $0x3;
	[sflag:s5] =	ssyncset.done $0x0  }
0x18: {  	s31 =	sand.u32 $0x7, s13;
	s15 =	sadd.s32 s4, s30;
	[sflag:s5] =	ssyncadd.s32 $0xFFFFFE70  }
0x19: {  	[hbm4b:s15+s31] =	stream.linear.scatter [tilespmem:s14], [sflag:$0x3], $0x190, $0x38;
	[tilespmem:$0x640] =	vst v63  }
.LBB2_5:
0x1a: {  	s15 =	sadd.s32 $0x3200, s11  }
0x1b: {  	p1 =	sgt.s32 s15, $0x4E1F  }
0x1c: {  	s15 =	smov.u32 @p1 s6;
	p1 =	sne.s32 s12, s9  }
.Ltmp1:
0x1d: {  	p0 =	slt.u32 s12, $0x2;
	(pc) =	sbr.rel @!p1 .LBB2_6-.Ltmp1, $4  }
0x1e: {  	s14 =	simm.s32 @!p0 $0x3  }
0x1f: {  	_ =	swait.ge @!p0 [sflag:s14], $0x190  }
0x20: {  	s16 =	sadd.s32 $0x1, s12;
	s13 =	smov.u32 s11;
	[sflag:s14] =	ssyncset.done @!p0 $0x0  }
0x21: {  	s12 =	smov.u32 s16;
	s11 =	smov.u32 s15;
	[sflag:s14] =	ssyncadd.s32 @!p0 $0xFFFFFE70  }
.LBB2_1:
0x22: {  	p0 =	sge.u32 s12, s8  }
0x23: {  	s14 =	sxor.u32 @!p0 $0x1, s12  }
0x24: {  	s14 =	smul.u32 @!p0 $0x640, s14  }
0x25: {  	s31 =	sadd.s32 $0xFFFFFFFF, s12;
	s15 =	sshrl.u32 @!p0 s11, $0x3  }
0x26: {  	s16 =	sand.u32 @!p0 $0x7, s11;
	s15 =	sadd.s32 @!p0 s3, s15;
	s14 =	sshra.s32 @!p0 s14, $0x2  }
0x27: {  	[tilespmem:s14], [sflag:$0x2] =	stream.linear.gather @!p0 [hbm4b:s15+s16], $0x190, $0x38;
	[tilespmem:$0x640] =	vst v63  }
0x28: {  	p0 =	sge.u32 s31, s8  }
.Ltmp2:
0x29: {  	_ = 	snop;
	(pc) =	sbr.rel @p0 .LBB2_5-.Ltmp2, $1  }
0x2a: {  	_ =	sdelay $0x3  }
0x2b: {  	s14 =	sand.u32 $0x1, s12  }
0x2c: {  	_ =	swait.ge [sflag:s7], $0x190;
	p0 =	seq.s32 s14, $0x1;
	s14 =	simm.s32 $0x190  }
0x2d: {  	[sflag:s7] =	ssyncset.done $0x0;
	s14 =	simm.s32 @!p0 $0x0  }
0x2e: {  	[sflag:s7] =	ssyncadd.s32 $0xFFFFFE70;
	(ifvalue) =	ssetifvalue $0x7FFFFFFF;
	v0 =	vld.msk [tilespmem:s14+$0x0 ss:$0x1], $0xffff;
	_ =	sdelay $0x4  }
0x2f: {  	s15 =	sadd.s32 $0x10, s14;
	vm1 =	vgt.s32 v0, $0x0  }
0x30: {  	v2 =	vld.msk [tilespmem:s15+$0x0 ss:$0x1], $0xffff;
	v1 =	vnsel vm1, $0x0, v0  }
0x31: {  	v1 =	vmin.u32 v1, $0x4E1F;
	_ =	sdelay $0x2  }
0x32: {  	s17 =	simm.s32 $0x20;
	s14 =	sadd.s32 $0x320, s14;
	s16 =	sadd.s32 $0x10, s15  }
0x33: {  	s15 =	sadd.s32 $0x10, s14;
	s18 =	smov.u32 s14;
	v0 =	vld.msk [tilespmem:s16+$0x0 ss:$0x1], $0xffff;
	vm1 =	vgt.s32 v2, $0x0;
	(ifvalue) =	ssetifvalue $0x7FFFFFFF  }
.LBB2_3:
0x34: {  	[tilespmem:s18], [sflag:$0x1] =	stream.indirect_vreg.gather [hbm4b:s2+s10], $0x1, v1, vm0, $0x4038;
	[tilespmem:$0x640] =	vst v63  }
0x35: {  	s17 =	sadd.s32 $0x10, s17  }
0x36: {  	v2 =	vnsel vm1, $0x0, v2;
	p0 =	slt.u32 s17, $0x180  }
.Ltmp3:
0x37: {  	s18 =	smov.u32 s15;
	v1 =	vmin.u32 v2, $0x4E1F;
	(pc) =	sbr.rel @p0 .LBB2_3-.Ltmp3, $3  }
0x38: {  	_ =	sdelay $0x1  }
0x39: {  	s16 =	sadd.s32 $0x10, s16  }
0x3a: {  	vm1 =	vgt.s32 v0, $0x0;
	s15 =	sadd.s32 $0x10, s15;
	v2 =	vmov v0;
	(ifvalue) =	ssetifvalue $0x7FFFFFFF;
	v0 =	vld.msk [tilespmem:s16+$0x0 ss:$0x1], $0xffff  }
.Ltmp4:
0x3b: {  	_ = 	snop;
	(pc) =	sbr.rel .LBB2_4-.Ltmp4, $1  }
0x3c: {  	_ =	sdelay $0x3  }
.LBB2_6:
0x3d: {  	_ =	sfence.sel $0x180000  }
0x3e: {  	s2 =	simm.s32 $0x2;
	[bflag:$0x0] =	sbarrier.arrive $0xFFFF  }
0x3f: {  	s30 =	simm.s32 $0x3;
	[sflag:s2] =	ssyncpa.u1 $0x1  }
0x40: {  	s31 =	simm.s32 $0x1;
	[sflag:s30] =	ssyncpa.u1 $0x1  }
0x41: {  	[sflag:s31] =	ssyncpa.u1 $0x1  }
0x42: {  	p0 =	sne.s32 s1, $0x0;
	_ =	strace $0x90000047  }
0x43: {  	s0 =	sadd.s32 @!p0 $0x100000, s0;
	[bflag:$0x2] =	sbarrier.arrive $0xFFFF  }
0x44: {  	[sflag:s0] =	ssyncadd.tile.s32 @!p0 $0x1;
	_ =	shalt  }
.Lfunc_end2:
_tile_overlayer_lowered:
.L_overlay_start_2:
0x45: {  	(tag) =	ssettag $0x2  }
0x46: {  	s0 =	rddreg [dreg:$0x0];
	s2 =	stileid.u32  }
0x47: {  	s1 =	rddreg [dreg:$0x1];
	p0 =	sne.s32 s2, $0x0  }
0x48: {  	s3 =	rddreg [dreg:$0x2];
	[bflag:$0x3] =	sbarrier.arrive $0xFFFF;
	s2 =	simm.s32 @!p0 $0x1C01  }
0x49: {  	[timem:s3], [sflag:s2] =	dma.local @!p0 [hbm:s0], s1  }
0x4a: {  	s0 =	simm.s32 @!p0 $0x1  }
0x4b: {  	_ =	swait.ge @!p0 [sflag:s0], s1  }
0x4c: {  	s1 =	ssub.s32 @!p0 $0x0, s1;
	[sflag:s0] =	ssyncset.done @!p0 $0x0  }
0x4d: {  	[sflag:s0] =	ssyncadd.s32 @!p0 s1  }
0x4e: {  	[bflag:$0x3] =	sbarrier.arrive $0xFFFF  }
0x4f: {  	_ =	shalt  }

</sc_bundles>
